<compile_context>
chip_gen: v7x
topology: tpu7x:2x2x1
jax: 0.10.2.dev20260603
libtpu: 0.0.44.dev20260713+nightly
codegen_flags: <defaults>
</compile_context>

<pallas_src>
import functools

import jax
import jax.numpy as jnp
from jax import lax
from jax.experimental import pallas as pl
from jax.experimental.pallas import tpu as pltpu
from jax.experimental.pallas import tpu_sc as plsc

GAMMA = 2
LAMB = max(5.0, 1500.0 / 1.001)
INV1PL = 1.0 / (1.0 + LAMB)


def _loss_body(cos_ref, tgt_ref, pt_ref, out_ref, *, n_rows, n_cols):
    i = pl.program_id(0)
    cos = cos_ref[...]
    tgt = tgt_ref[0, 0, :]
    p_t = pt_ref[0, 0, :]
    col = lax.broadcasted_iota(jnp.int32, (n_rows, n_cols), 1)
    mask = col == tgt[:, None]
    c_t = jnp.sum(jnp.where(mask, cos, 0.0), axis=1)
    mod = c_t + (p_t - c_t) * INV1PL
    m = jnp.maximum(jnp.max(jnp.where(mask, -jnp.inf, cos), axis=1), mod)
    s = (jnp.sum(jnp.where(mask, 0.0, jnp.exp(cos - m[:, None])), axis=1)
         + jnp.exp(mod - m))
    logpt = mod - m - jnp.log(s)
    pt = jnp.exp(logpt)
    blk = jnp.sum(-((1.0 - pt) ** GAMMA) * logpt)

    @pl.when(i == 0)
    def _():
        out_ref[0, 0] = 0.0

    out_ref[0, 0] += blk


def _make_loss_call(B, C, BR):
    nblk = B // BR
    body = functools.partial(_loss_body, n_rows=BR, n_cols=C)
    return pl.pallas_call(
        body,
        grid=(nblk,),
        in_specs=[
            pl.BlockSpec((BR, C), lambda i: (i, 0)),
            pl.BlockSpec((1, 1, BR), lambda i: (i, 0, 0)),
            pl.BlockSpec((1, 1, BR), lambda i: (i, 0, 0)),
        ],
        out_specs=pl.BlockSpec(memory_space=pltpu.SMEM),
        out_shape=jax.ShapeDtypeStruct((1, 1), jnp.float32),
    )


def _make_sc_gather(B, C):
    info = plsc.get_sparse_core_info()
    nc, ns, lanes = info.num_cores, info.num_subcores, info.num_lanes
    nw = nc * ns
    per_w = B // nw

    mesh = plsc.VectorSubcoreMesh(core_axis_name="c", subcore_axis_name="s")

    @functools.partial(
        pl.kernel,
        mesh=mesh,
        out_type=jax.ShapeDtypeStruct((B,), jnp.float32),
        scratch_types=[
            pltpu.VMEM((per_w,), jnp.int32),
            pltpu.VMEM((per_w,), jnp.int32),
            pltpu.VMEM((per_w,), jnp.float32),
            pltpu.SemaphoreType.DMA,
        ],
    )
    def gather(phi_hbm, tgt_hbm, out_hbm, tgt_v, idx_v, val_v, sem):
        wid = lax.axis_index("s") * nc + lax.axis_index("c")
        base = wid * per_w
        pltpu.sync_copy(tgt_hbm.at[pl.ds(base, per_w)], tgt_v)
        for j in range(per_w // lanes):
            row = base + j * lanes + lax.broadcasted_iota(jnp.int32, (lanes,), 0)
            idx_v[pl.ds(j * lanes, lanes)] = tgt_v[pl.ds(j * lanes, lanes)] + row * C
        pltpu.async_copy(phi_hbm.at[idx_v], val_v, sem).wait()
        pltpu.sync_copy(val_v, out_hbm.at[pl.ds(base, per_w)])

    return gather


def kernel(cos_theta, phi_theta, xlen, target):
    del xlen
    B, C = cos_theta.shape
    p_t = _make_sc_gather(B, C)(jnp.reshape(phi_theta, (-1,)), target)
    BR = 256
    nblk = B // BR
    tgt3 = jnp.reshape(target, (nblk, 1, BR))
    pt3 = jnp.reshape(p_t, (nblk, 1, BR))
    total = _make_loss_call(B, C, BR)(cos_theta, tgt3, pt3)
    return total[0, 0] / B

# --- scband reference (transcript-rebuilt; emitter-appended) ---
"""Pipeline reference for scband-angle-loss-11982958756043 (READ-ONLY COPY).

The authoritative reference and input builder live on the scoring server;
editing this copy changes nothing except your own understanding.
"""

import jax, jax.numpy as jnp
import numpy as np

GAMMA = 2
NUM_CLS = 1000
LAMBDA_MIN = 5.0
LAMBDA_MAX = 1500.0
IT = 1  # module increments self.it before use; first call -> it = 1


def setup_inputs(seed: int = 0) -> dict:
    key = jax.random.key(seed)
    k1, k2, k3, k4 = jax.random.split(key, 4)
    B, C = 4096, NUM_CLS
    cos_theta = jax.random.normal(k1, (B, C), dtype=jnp.float32)
    phi_theta = jax.random.normal(k2, (B, C), dtype=jnp.float32)
    xlen = jax.random.uniform(k3, (B,), dtype=jnp.float32)
    target = jax.random.randint(k4, (B,), 0, C, dtype=jnp.int32)
    return {"cos_theta": cos_theta, "phi_theta": phi_theta, "xlen": xlen, "target": target}


def reference(cos_theta, phi_theta, xlen, target):
    lamb = max(LAMBDA_MIN, LAMBDA_MAX / (1.0 + 0.001 * IT))
    # feat is computed in the torch module but never used downstream
    feat = cos_theta / xlen.reshape(-1, 1)
    del feat
    C = cos_theta.shape[1]
    # index.scatter_(1, target, 1) -> one-hot mask at target class
    mask = jax.nn.one_hot(target, C, dtype=cos_theta.dtype)
    # output[index] = cos - cos/(1+lamb) + phi/(1+lamb)
    output = cos_theta + mask * ((phi_theta - cos_theta) / (1.0 + lamb))
    logpt_all = jax.nn.log_softmax(output, axis=1)
    logpt = jnp.take_along_axis(logpt_all, target.reshape(-1, 1).astype(jnp.int32), axis=1)[:, 0]
    pt = jax.lax.stop_gradient(jnp.exp(logpt))  # Variable(logpt.data.exp()) -> detached
    loss = (-1.0 * (1.0 - pt) ** GAMMA * logpt).mean()
    return loss

if __name__ == "__main__":
    import jax
    _d = setup_inputs()
    print(jax.jit(kernel)(*tuple(_d.values())))

</pallas_src>

<mosaic_0001>
#map = affine_map<(d0, d1) -> (0)>
module attributes {stable_mosaic.version = 14 : i64} {
  func.func @gather(%arg0: i32, %arg1: i32, %arg2: memref<4096000xf32, #tpu.memory_space<hbm>>, %arg3: memref<4096xi32, #tpu.memory_space<hbm>>, %arg4: memref<4096xf32, #tpu.memory_space<hbm>>, %arg5: memref<128xi32, #tpu.memory_space<vmem>>, %arg6: memref<128xi32, #tpu.memory_space<vmem>>, %arg7: memref<128xf32, #tpu.memory_space<vmem>>, %arg8: memref<!tpu.dma_semaphore, #tpu.memory_space<semaphore_mem>>) attributes {dimension_semantics = [#tpu.dimension_semantics<core_parallel>, #tpu.dimension_semantics<subcore_parallel>], iteration_bounds = array<i64: 2, 16>, scalar_prefetch = 0 : i64, scratch_operands = 4 : i64, tpu.core_type = #tpu.core_type<sc_vector_subcore>, window_params = [{transform_indices = #map}, {transform_indices = #map}, {transform_indices = #map}]} {
    %mul3A = arith.constant 2 : i32
    %mul3A_0 = arith.muli %arg1, %mul3A : i32
    %add3A = arith.addi %mul3A_0, %arg0 : i32
    %mul3A_1 = arith.constant 128 : i32
    %mul3A_2 = arith.muli %add3A, %mul3A_1 : i32
    "tpu.region"() ({
      %run_scoped3A = tpu.sem_alloc : memref<!tpu.dma_semaphore, #tpu.memory_space<semaphore_mem>>
      %dma_start3A_130 = tpu.memref_slice %arg3[%mul3A_2] : memref<4096xi32, #tpu.memory_space<hbm>> -> memref<128xi32, #tpu.memory_space<hbm>>
      %dma_start3A_131 = tpu.memref_slice %arg3[%mul3A_2] : memref<4096xi32, #tpu.memory_space<hbm>> -> memref<128xi32, #tpu.memory_space<hbm>>
      tpu.enqueue_dma source(%dma_start3A_131 : memref<128xi32, #tpu.memory_space<hbm>>) target(%arg5 : memref<128xi32, #tpu.memory_space<vmem>>) target_semaphore(%run_scoped3A : memref<!tpu.dma_semaphore, #tpu.memory_space<semaphore_mem>>)
      %dma_wait3A_132 = tpu.memref_slice %arg3[%mul3A_2] : memref<4096xi32, #tpu.memory_space<hbm>> -> memref<128xi32, #tpu.memory_space<hbm>>
      %dma_wait3A_133 = tpu.memref_slice %arg3[%mul3A_2] : memref<4096xi32, #tpu.memory_space<hbm>> -> memref<128xi32, #tpu.memory_space<hbm>>
      tpu.wait_dma2 semaphore(%run_scoped3A : memref<!tpu.dma_semaphore, #tpu.memory_space<semaphore_mem>>) src(%dma_wait3A_133 : memref<128xi32, #tpu.memory_space<hbm>>) dst(%arg5 : memref<128xi32, #tpu.memory_space<vmem>>)
      tpu.yield
    }) : () -> ()
    %add3A_3 = arith.constant 0 : i32
    %add3A_4 = arith.addi %mul3A_2, %add3A_3 : i32
    %iota3A = tpu.iota {dimensions = array<i32: 0>} : vector<16xi32>
    %add3A_5 = vector.broadcast %add3A_4 : i32 to vector<16xi32>
    %add3A_6 = arith.addi %add3A_5, %iota3A : vector<16xi32>
    %get3A = arith.constant 0 : index
    %get3A_7 = tpu.vector_load %arg5[%get3A] {strides = array<i32>} : memref<128xi32, #tpu.memory_space<vmem>>, vector<16xi32>,
    %get3A_8 = vector.shape_cast %get3A_7 : vector<16xi32> to vector<16xi32>
    %mul3A_9 = arith.constant 1000 : i32
    %mul3A_10 = vector.broadcast %mul3A_9 : i32 to vector<16xi32>
    %mul3A_11 = arith.muli %add3A_6, %mul3A_10 : vector<16xi32>
    %add3A_12 = arith.addi %get3A_8, %mul3A_11 : vector<16xi32>
    %swap3A = arith.constant 0 : index
    %swap3A_13 = tpu.vector_load %arg6[%swap3A] {strides = array<i32>} : memref<128xi32, #tpu.memory_space<vmem>>, vector<16xi32>,
    %swap3A_14 = vector.shape_cast %swap3A_13 : vector<16xi32> to vector<16xi32>
    %swap3A_15 = vector.shape_cast %add3A_12 : vector<16xi32> to vector<16xi32>
    tpu.vector_store %arg6[%swap3A], %swap3A_15 {strides = array<i32>} : memref<128xi32, #tpu.memory_space<vmem>>, vector<16xi32>,
    %add3A_16 = arith.constant 16 : i32
    %add3A_17 = arith.addi %mul3A_2, %add3A_16 : i32
    %iota3A_18 = tpu.iota {dimensions = array<i32: 0>} : vector<16xi32>
    %add3A_19 = vector.broadcast %add3A_17 : i32 to vector<16xi32>
    %add3A_20 = arith.addi %add3A_19, %iota3A_18 : vector<16xi32>
    %get3A_21 = arith.constant 16 : index
    %get3A_22 = tpu.vector_load %arg5[%get3A_21] {strides = array<i32>} : memref<128xi32, #tpu.memory_space<vmem>>, vector<16xi32>,
    %get3A_23 = vector.shape_cast %get3A_22 : vector<16xi32> to vector<16xi32>
    %mul3A_24 = arith.constant 1000 : i32
    %mul3A_25 = vector.broadcast %mul3A_24 : i32 to vector<16xi32>
    %mul3A_26 = arith.muli %add3A_20, %mul3A_25 : vector<16xi32>
    %add3A_27 = arith.addi %get3A_23, %mul3A_26 : vector<16xi32>
    %swap3A_28 = arith.constant 16 : index
    %swap3A_29 = tpu.vector_load %arg6[%swap3A_28] {strides = array<i32>} : memref<128xi32, #tpu.memory_space<vmem>>, vector<16xi32>,
    %swap3A_30 = vector.shape_cast %swap3A_29 : vector<16xi32> to vector<16xi32>
    %swap3A_31 = vector.shape_cast %add3A_27 : vector<16xi32> to vector<16xi32>
    tpu.vector_store %arg6[%swap3A_28], %swap3A_31 {strides = array<i32>} : memref<128xi32, #tpu.memory_space<vmem>>, vector<16xi32>,
    %add3A_32 = arith.constant 32 : i32
    %add3A_33 = arith.addi %mul3A_2, %add3A_32 : i32
    %iota3A_34 = tpu.iota {dimensions = array<i32: 0>} : vector<16xi32>
    %add3A_35 = vector.broadcast %add3A_33 : i32 to vector<16xi32>
    %add3A_36 = arith.addi %add3A_35, %iota3A_34 : vector<16xi32>
    %get3A_37 = arith.constant 32 : index
    %get3A_38 = tpu.vector_load %arg5[%get3A_37] {strides = array<i32>} : memref<128xi32, #tpu.memory_space<vmem>>, vector<16xi32>,
    %get3A_39 = vector.shape_cast %get3A_38 : vector<16xi32> to vector<16xi32>
    %mul3A_40 = arith.constant 1000 : i32
    %mul3A_41 = vector.broadcast %mul3A_40 : i32 to vector<16xi32>
    %mul3A_42 = arith.muli %add3A_36, %mul3A_41 : vector<16xi32>
    %add3A_43 = arith.addi %get3A_39, %mul3A_42 : vector<16xi32>
    %swap3A_44 = arith.constant 32 : index
    %swap3A_45 = tpu.vector_load %arg6[%swap3A_44] {strides = array<i32>} : memref<128xi32, #tpu.memory_space<vmem>>, vector<16xi32>,
    %swap3A_46 = vector.shape_cast %swap3A_45 : vector<16xi32> to vector<16xi32>
    %swap3A_47 = vector.shape_cast %add3A_43 : vector<16xi32> to vector<16xi32>
    tpu.vector_store %arg6[%swap3A_44], %swap3A_47 {strides = array<i32>} : memref<128xi32, #tpu.memory_space<vmem>>, vector<16xi32>,
    %add3A_48 = arith.constant 48 : i32
    %add3A_49 = arith.addi %mul3A_2, %add3A_48 : i32
    %iota3A_50 = tpu.iota {dimensions = array<i32: 0>} : vector<16xi32>
    %add3A_51 = vector.broadcast %add3A_49 : i32 to vector<16xi32>
    %add3A_52 = arith.addi %add3A_51, %iota3A_50 : vector<16xi32>
    %get3A_53 = arith.constant 48 : index
    %get3A_54 = tpu.vector_load %arg5[%get3A_53] {strides = array<i32>} : memref<128xi32, #tpu.memory_space<vmem>>, vector<16xi32>,
    %get3A_55 = vector.shape_cast %get3A_54 : vector<16xi32> to vector<16xi32>
    %mul3A_56 = arith.constant 1000 : i32
    %mul3A_57 = vector.broadcast %mul3A_56 : i32 to vector<16xi32>
    %mul3A_58 = arith.muli %add3A_52, %mul3A_57 : vector<16xi32>
    %add3A_59 = arith.addi %get3A_55, %mul3A_58 : vector<16xi32>
    %swap3A_60 = arith.constant 48 : index
    %swap3A_61 = tpu.vector_load %arg6[%swap3A_60] {strides = array<i32>} : memref<128xi32, #tpu.memory_space<vmem>>, vector<16xi32>,
    %swap3A_62 = vector.shape_cast %swap3A_61 : vector<16xi32> to vector<16xi32>
    %swap3A_63 = vector.shape_cast %add3A_59 : vector<16xi32> to vector<16xi32>
    tpu.vector_store %arg6[%swap3A_60], %swap3A_63 {strides = array<i32>} : memref<128xi32, #tpu.memory_space<vmem>>, vector<16xi32>,
    %add3A_64 = arith.constant 64 : i32
    %add3A_65 = arith.addi %mul3A_2, %add3A_64 : i32
    %iota3A_66 = tpu.iota {dimensions = array<i32: 0>} : vector<16xi32>
    %add3A_67 = vector.broadcast %add3A_65 : i32 to vector<16xi32>
    %add3A_68 = arith.addi %add3A_67, %iota3A_66 : vector<16xi32>
    %get3A_69 = arith.constant 64 : index
    %get3A_70 = tpu.vector_load %arg5[%get3A_69] {strides = array<i32>} : memref<128xi32, #tpu.memory_space<vmem>>, vector<16xi32>,
    %get3A_71 = vector.shape_cast %get3A_70 : vector<16xi32> to vector<16xi32>
    %mul3A_72 = arith.constant 1000 : i32
    %mul3A_73 = vector.broadcast %mul3A_72 : i32 to vector<16xi32>
    %mul3A_74 = arith.muli %add3A_68, %mul3A_73 : vector<16xi32>
    %add3A_75 = arith.addi %get3A_71, %mul3A_74 : vector<16xi32>
    %swap3A_76 = arith.constant 64 : index
    %swap3A_77 = tpu.vector_load %arg6[%swap3A_76] {strides = array<i32>} : memref<128xi32, #tpu.memory_space<vmem>>, vector<16xi32>,
    %swap3A_78 = vector.shape_cast %swap3A_77 : vector<16xi32> to vector<16xi32>
    %swap3A_79 = vector.shape_cast %add3A_75 : vector<16xi32> to vector<16xi32>
    tpu.vector_store %arg6[%swap3A_76], %swap3A_79 {strides = array<i32>} : memref<128xi32, #tpu.memory_space<vmem>>, vector<16xi32>,
    %add3A_80 = arith.constant 80 : i32
    %add3A_81 = arith.addi %mul3A_2, %add3A_80 : i32
    %iota3A_82 = tpu.iota {dimensions = array<i32: 0>} : vector<16xi32>
    %add3A_83 = vector.broadcast %add3A_81 : i32 to vector<16xi32>
    %add3A_84 = arith.addi %add3A_83, %iota3A_82 : vector<16xi32>
    %get3A_85 = arith.constant 80 : index
    %get3A_86 = tpu.vector_load %arg5[%get3A_85] {strides = array<i32>} : memref<128xi32, #tpu.memory_space<vmem>>, vector<16xi32>,
    %get3A_87 = vector.shape_cast %get3A_86 : vector<16xi32> to vector<16xi32>
    %mul3A_88 = arith.constant 1000 : i32
    %mul3A_89 = vector.broadcast %mul3A_88 : i32 to vector<16xi32>
    %mul3A_90 = arith.muli %add3A_84, %mul3A_89 : vector<16xi32>
    %add3A_91 = arith.addi %get3A_87, %mul3A_90 : vector<16xi32>
    %swap3A_92 = arith.constant 80 : index
    %swap3A_93 = tpu.vector_load %arg6[%swap3A_92] {strides = array<i32>} : memref<128xi32, #tpu.memory_space<vmem>>, vector<16xi32>,
    %swap3A_94 = vector.shape_cast %swap3A_93 : vector<16xi32> to vector<16xi32>
    %swap3A_95 = vector.shape_cast %add3A_91 : vector<16xi32> to vector<16xi32>
    tpu.vector_store %arg6[%swap3A_92], %swap3A_95 {strides = array<i32>} : memref<128xi32, #tpu.memory_space<vmem>>, vector<16xi32>,
    %add3A_96 = arith.constant 96 : i32
    %add3A_97 = arith.addi %mul3A_2, %add3A_96 : i32
    %iota3A_98 = tpu.iota {dimensions = array<i32: 0>} : vector<16xi32>
    %add3A_99 = vector.broadcast %add3A_97 : i32 to vector<16xi32>
    %add3A_100 = arith.addi %add3A_99, %iota3A_98 : vector<16xi32>
    %get3A_101 = arith.constant 96 : index
    %get3A_102 = tpu.vector_load %arg5[%get3A_101] {strides = array<i32>} : memref<128xi32, #tpu.memory_space<vmem>>, vector<16xi32>,
    %get3A_103 = vector.shape_cast %get3A_102 : vector<16xi32> to vector<16xi32>
    %mul3A_104 = arith.constant 1000 : i32
    %mul3A_105 = vector.broadcast %mul3A_104 : i32 to vector<16xi32>
    %mul3A_106 = arith.muli %add3A_100, %mul3A_105 : vector<16xi32>
    %add3A_107 = arith.addi %get3A_103, %mul3A_106 : vector<16xi32>
    %swap3A_108 = arith.constant 96 : index
    %swap3A_109 = tpu.vector_load %arg6[%swap3A_108] {strides = array<i32>} : memref<128xi32, #tpu.memory_space<vmem>>, vector<16xi32>,
    %swap3A_110 = vector.shape_cast %swap3A_109 : vector<16xi32> to vector<16xi32>
    %swap3A_111 = vector.shape_cast %add3A_107 : vector<16xi32> to vector<16xi32>
    tpu.vector_store %arg6[%swap3A_108], %swap3A_111 {strides = array<i32>} : memref<128xi32, #tpu.memory_space<vmem>>, vector<16xi32>,
    %add3A_112 = arith.constant 112 : i32
    %add3A_113 = arith.addi %mul3A_2, %add3A_112 : i32
    %iota3A_114 = tpu.iota {dimensions = array<i32: 0>} : vector<16xi32>
    %add3A_115 = vector.broadcast %add3A_113 : i32 to vector<16xi32>
    %add3A_116 = arith.addi %add3A_115, %iota3A_114 : vector<16xi32>
    %get3A_117 = arith.constant 112 : index
    %get3A_118 = tpu.vector_load %arg5[%get3A_117] {strides = array<i32>} : memref<128xi32, #tpu.memory_space<vmem>>, vector<16xi32>,
    %get3A_119 = vector.shape_cast %get3A_118 : vector<16xi32> to vector<16xi32>
    %mul3A_120 = arith.constant 1000 : i32
    %mul3A_121 = vector.broadcast %mul3A_120 : i32 to vector<16xi32>
    %mul3A_122 = arith.muli %add3A_116, %mul3A_121 : vector<16xi32>
    %add3A_123 = arith.addi %get3A_119, %mul3A_122 : vector<16xi32>
    %swap3A_124 = arith.constant 112 : index
    %swap3A_125 = tpu.vector_load %arg6[%swap3A_124] {strides = array<i32>} : memref<128xi32, #tpu.memory_space<vmem>>, vector<16xi32>,
    %swap3A_126 = vector.shape_cast %swap3A_125 : vector<16xi32> to vector<16xi32>
    %swap3A_127 = vector.shape_cast %add3A_123 : vector<16xi32> to vector<16xi32>
    tpu.vector_store %arg6[%swap3A_124], %swap3A_127 {strides = array<i32>} : memref<128xi32, #tpu.memory_space<vmem>>, vector<16xi32>,
    %dma_start3A = arith.constant 0 : i32
    %dma_start3A_128 = tpu.memref_slice %arg2[%dma_start3A] : memref<4096000xf32, #tpu.memory_space<hbm>> -> memref<4096000xf32, #tpu.memory_space<hbm>>
    tpu.enqueue_indirect_dma source(%dma_start3A_128 : memref<4096000xf32, #tpu.memory_space<hbm>>) target(%arg7 : memref<128xf32, #tpu.memory_space<vmem>>) offsets(%arg6 : memref<128xi32, #tpu.memory_space<vmem>>) semaphore(%arg8 : memref<!tpu.dma_semaphore, #tpu.memory_space<semaphore_mem>>)
    %dma_wait3A = arith.constant 0 : i32
    %dma_wait3A_129 = tpu.memref_slice %arg2[%dma_wait3A] : memref<4096000xf32, #tpu.memory_space<hbm>> -> memref<4096000xf32, #tpu.memory_space<hbm>>
    tpu.wait_indirect_dma semaphore(%arg8 : memref<!tpu.dma_semaphore, #tpu.memory_space<semaphore_mem>>) src(%dma_wait3A_129 : memref<4096000xf32, #tpu.memory_space<hbm>>) dst(%arg7 : memref<128xf32, #tpu.memory_space<vmem>>)
    "tpu.region"() ({
      %run_scoped3A = tpu.sem_alloc : memref<!tpu.dma_semaphore, #tpu.memory_space<semaphore_mem>>
      %dma_start3A_130 = tpu.memref_slice %arg4[%mul3A_2] : memref<4096xf32, #tpu.memory_space<hbm>> -> memref<128xf32, #tpu.memory_space<hbm>>
      %dma_start3A_131 = tpu.memref_slice %arg4[%mul3A_2] : memref<4096xf32, #tpu.memory_space<hbm>> -> memref<128xf32, #tpu.memory_space<hbm>>
      tpu.enqueue_dma source(%arg7 : memref<128xf32, #tpu.memory_space<vmem>>) target(%dma_start3A_131 : memref<128xf32, #tpu.memory_space<hbm>>) target_semaphore(%run_scoped3A : memref<!tpu.dma_semaphore, #tpu.memory_space<semaphore_mem>>)
      %dma_wait3A_132 = tpu.memref_slice %arg4[%mul3A_2] : memref<4096xf32, #tpu.memory_space<hbm>> -> memref<128xf32, #tpu.memory_space<hbm>>
      %dma_wait3A_133 = tpu.memref_slice %arg4[%mul3A_2] : memref<4096xf32, #tpu.memory_space<hbm>> -> memref<128xf32, #tpu.memory_space<hbm>>
      tpu.wait_dma2 semaphore(%run_scoped3A : memref<!tpu.dma_semaphore, #tpu.memory_space<semaphore_mem>>) src(%arg7 : memref<128xf32, #tpu.memory_space<vmem>>) dst(%dma_wait3A_133 : memref<128xf32, #tpu.memory_space<hbm>>)
      tpu.yield
    }) : () -> ()
    return
  }
}

module attributes {stable_mosaic.version = 14 : i64} {
  func.func @_loss_body(%arg0: i32, %arg1: memref<256x1000xf32, #tpu.memory_space<vmem>>, %arg2: memref<1x1x256xi32, #tpu.memory_space<vmem>>, %arg3: memref<1x1x256xf32, #tpu.memory_space<vmem>>, %arg4: memref<1x1xf32, #tpu.memory_space<smem>>) attributes {dimension_semantics = [#tpu.dimension_semantics<arbitrary>], iteration_bounds = array<i64: 16>, scalar_prefetch = 0 : i64, scratch_operands = 0 : i64, tpu.core_type = #tpu.core_type<tc>, window_params = [{transform_indices = @transform_0, window_bounds = array<i64: 256, 1000>}, {transform_indices = @transform_1, window_bounds = array<i64: 1, 1, 256>}, {transform_indices = @transform_2, window_bounds = array<i64: 1, 1, 256>}, {transform_indices = @transform_3, window_bounds = array<i64: 1, 1>}]} {
    %get3A = arith.constant 0 : index
    %get3A_0 = arith.constant 0 : index
    %get3A_1 = vector.load %arg1[%get3A, %get3A_0] : memref<256x1000xf32, #tpu.memory_space<vmem>>, vector<256x1000xf32>
    %get3A_2 = arith.constant 0 : index
    %get3A_3 = arith.constant 0 : index
    %get3A_4 = arith.constant 0 : index
    %get3A_5 = vector.load %arg2[%get3A_2, %get3A_3, %get3A_4] : memref<1x1x256xi32, #tpu.memory_space<vmem>>, vector<1x1x256xi32>
    %get3A_6 = vector.shape_cast %get3A_5 : vector<1x1x256xi32> to vector<256xi32>
    %get3A_7 = arith.constant 0 : index
    %get3A_8 = arith.constant 0 : index
    %get3A_9 = arith.constant 0 : index
    %get3A_10 = vector.load %arg3[%get3A_7, %get3A_8, %get3A_9] : memref<1x1x256xf32, #tpu.memory_space<vmem>>, vector<1x1x256xf32>
    %get3A_11 = vector.shape_cast %get3A_10 : vector<1x1x256xf32> to vector<256xf32>
    %iota3A = tpu.iota {dimensions = array<i32: 1>} : vector<256x1000xi32>
    %broadcast_in_dim3A = vector.shape_cast %get3A_6 : vector<256xi32> to vector<256x1xi32>
    %eq3A = vector.broadcast %broadcast_in_dim3A : vector<256x1xi32> to vector<256x1000xi32>
    %eq3A_12 = arith.cmpi eq, %iota3A, %eq3A : vector<256x1000xi32>
    %jit3A = arith.constant 0.000000e+00 : f32
    %broadcast_in_dim3A_13 = vector.broadcast %jit3A : f32 to vector<256x1000xf32>
    %select_n3A = arith.select %eq3A_12, %get3A_1, %broadcast_in_dim3A_13 : vector<256x1000xi1>, vector<256x1000xf32>
    %reduce_sum3A = arith.constant dense<0.000000e+00> : vector<256xf32>
    %reduce_sum3A_14 = vector.multi_reduction <add>, %select_n3A, %reduce_sum3A [1] : vector<256x1000xf32> to vector<256xf32>
    %sub3A = arith.subf %get3A_11, %reduce_sum3A_14 : vector<256xf32>
    %mul3A = arith.constant 6.66888314E-4 : f32
    %mul3A_15 = vector.broadcast %mul3A : f32 to vector<256xf32>
    %mul3A_16 = arith.mulf %sub3A, %mul3A_15 : vector<256xf32>
    %add3A = arith.addf %reduce_sum3A_14, %mul3A_16 : vector<256xf32>
    %jit3A_17 = arith.constant 0xFF800000 : f32
    %broadcast_in_dim3A_18 = vector.broadcast %jit3A_17 : f32 to vector<256x1000xf32>
    %select_n3A_19 = arith.select %eq3A_12, %broadcast_in_dim3A_18, %get3A_1 : vector<256x1000xi1>, vector<256x1000xf32>
    %reduce_max3A = arith.constant dense<0xFF800000> : vector<256xf32>
    %reduce_max3A_20 = vector.multi_reduction <maximumf>, %select_n3A_19, %reduce_max3A [1] : vector<256x1000xf32> to vector<256xf32>
    %max3A = arith.maximumf %reduce_max3A_20, %add3A : vector<256xf32>
    %broadcast_in_dim3A_21 = vector.shape_cast %max3A : vector<256xf32> to vector<256x1xf32>
    %sub3A_22 = vector.broadcast %broadcast_in_dim3A_21 : vector<256x1xf32> to vector<256x1000xf32>
    %sub3A_23 = arith.subf %get3A_1, %sub3A_22 : vector<256x1000xf32>
    %exp3A = math.exp %sub3A_23 : vector<256x1000xf32>
    %jit3A_24 = arith.constant 0.000000e+00 : f32
    %broadcast_in_dim3A_25 = vector.broadcast %jit3A_24 : f32 to vector<256x1000xf32>
    %select_n3A_26 = arith.select %eq3A_12, %broadcast_in_dim3A_25, %exp3A : vector<256x1000xi1>, vector<256x1000xf32>
    %reduce_sum3A_27 = arith.constant dense<0.000000e+00> : vector<256xf32>
    %reduce_sum3A_28 = vector.multi_reduction <add>, %select_n3A_26, %reduce_sum3A_27 [1] : vector<256x1000xf32> to vector<256xf32>
    %sub3A_29 = arith.subf %add3A, %max3A : vector<256xf32>
    %exp3A_30 = math.exp %sub3A_29 : vector<256xf32>
    %add3A_31 = arith.addf %reduce_sum3A_28, %exp3A_30 : vector<256xf32>
    %sub3A_32 = arith.subf %add3A, %max3A : vector<256xf32>
    %log3A = math.log %add3A_31 : vector<256xf32>
    %sub3A_33 = arith.subf %sub3A_32, %log3A : vector<256xf32>
    %exp3A_34 = math.exp %sub3A_33 : vector<256xf32>
    %sub3A_35 = arith.constant 1.000000e+00 : f32
    %sub3A_36 = vector.broadcast %sub3A_35 : f32 to vector<256xf32>
    %sub3A_37 = arith.subf %sub3A_36, %exp3A_34 : vector<256xf32>
    %integer_pow3A = arith.mulf %sub3A_37, %sub3A_37 : vector<256xf32>
    %neg3A = arith.constant 0.000000e+00 : f32
    %neg3A_38 = vector.broadcast %neg3A : f32 to vector<256xf32>
    %neg3A_39 = arith.subf %neg3A_38, %integer_pow3A : vector<256xf32>
    %mul3A_40 = arith.mulf %neg3A_39, %sub3A_33 : vector<256xf32>
    %reduce_sum3A_41 = vector.shape_cast %mul3A_40 : vector<256xf32> to vector<1x256xf32>
    %reduce_sum3A_42 = arith.constant dense<0.000000e+00> : vector<1xf32>
    %reduce_sum3A_43 = vector.multi_reduction <add>, %reduce_sum3A_41, %reduce_sum3A_42 [1] : vector<1x256xf32> to vector<1xf32>
    %reduce_sum3A_44 = vector.shape_cast %reduce_sum3A_43 : vector<1xf32> to vector<1x1xf32>
    %reduce_sum3A_45 = vector.extract %reduce_sum3A_44[0, 0] : f32 from vector<1x1xf32>
    %eq3A_46 = arith.constant 0 : i32
    %eq3A_47 = arith.cmpi eq, %arg0, %eq3A_46 : i32
    %convert_element_type3A = arith.extui %eq3A_47 : i1 to i32
    %cond3A = arith.constant 0 : i32
    %cond3A_48 = arith.cmpi ne, %convert_element_type3A, %cond3A : i32
    scf.if %cond3A_48 {
      %swap3A_55 = arith.constant 0.000000e+00 : f32
      %swap3A_56 = arith.constant 0 : index
      %swap3A_57 = arith.constant 0 : index
      %swap3A_58 = memref.load %arg4[%swap3A_56, %swap3A_57] : memref<1x1xf32, #tpu.memory_space<smem>>
      memref.store %swap3A_55, %arg4[%swap3A_56, %swap3A_57] : memref<1x1xf32, #tpu.memory_space<smem>>
    } else {
    }
    %get3A_49 = arith.constant 0 : index
    %get3A_50 = arith.constant 0 : index
    %get3A_51 = memref.load %arg4[%get3A_49, %get3A_50] : memref<1x1xf32, #tpu.memory_space<smem>>
    %add3A_52 = arith.addf %get3A_51, %reduce_sum3A_45 : f32
    %swap3A = arith.constant 0 : index
    %swap3A_53 = arith.constant 0 : index
    %swap3A_54 = memref.load %arg4[%swap3A, %swap3A_53] : memref<1x1xf32, #tpu.memory_space<smem>>
    memref.store %add3A_52, %arg4[%swap3A, %swap3A_53] : memref<1x1xf32, #tpu.memory_space<smem>>
    return
  }
  func.func @transform_0(%arg0: i32) -> (i32, i32) {
    %c0_i32 = arith.constant 0 : i32
    %c0_i32_0 = arith.constant 0 : i32
    return %arg0, %c0_i32 : i32, i32
  }
  func.func @transform_1(%arg0: i32) -> (i32, i32, i32) {
    %c0_i32 = arith.constant 0 : i32
    %c0_i32_0 = arith.constant 0 : i32
    %c0_i32_1 = arith.constant 0 : i32
    return %arg0, %c0_i32, %c0_i32_0 : i32, i32, i32
  }
  func.func @transform_2(%arg0: i32) -> (i32, i32, i32) {
    %c0_i32 = arith.constant 0 : i32
    %c0_i32_0 = arith.constant 0 : i32
    %c0_i32_1 = arith.constant 0 : i32
    return %arg0, %c0_i32, %c0_i32_0 : i32, i32, i32
  }
  func.func @transform_3(%arg0: i32) -> (i32, i32) {
    %c0_i32 = arith.constant 0 : i32
    %c0_i32_0 = arith.constant 0 : i32
    %c0_i32_1 = arith.constant 0 : i32
    return %c0_i32, %c0_i32_0 : i32, i32
  }
}

</mosaic_0001>

<sc_bundles>
// kernel: kernel.4.cloned.1.call-start
scs
__scs_entry_jumppad:
0x0: {  	(pc) =	sbr.rel $0x88, $3  }
0x1: {  	(tag) =	ssettag $0x0;
	lr =	simm.s32 $0x1  }
0x2: {  	[smem:$0x3F9E] =	sst lr;
	_ =	strace $0xD0000000  }
0x3: {  	_ = 	snop  }
0x4: {  	_ = 	snop  }
0x5: {  	_ = 	snop  }
0x6: {  	_ = 	snop  }
0x7: {  	_ = 	snop  }
__scs_overlays_trampoline_lowered:
0x8: {  	[smem:$0x3FAD] =	sst s0  }
0x9: {  	[smem:$0x3FAE] =	sst s1  }
0xa: {  	[smem:$0x3FAF] =	sst s2  }
0xb: {  	[smem:$0x3FB0] =	sst s3  }
0xc: {  	[smem:$0x3FB1] =	sst s4  }
0xd: {  	[smem:$0x3FB2] =	sst s5  }
0xe: {  	[smem:$0x3FB3] =	sst s6  }
0xf: {  	[smem:$0x3FB4] =	sst s7  }
0x10: {  	[smem:$0x3FB5] =	sst s8  }
0x11: {  	[smem:$0x3FB6] =	sst s9;
	s0 =	simm.s32 @!p0 $0x0  }
0x12: {  	s1 =	sld [smem:$0x3F9C];
	s0 =	simm.s32 @p0 $0x1  }
0x13: {  	[smem:$0x3FB7] =	sst s0;
	s0 =	simm.s32 @!p1 $0x0  }
0x14: {  	s2 =	sld [smem:$0x3F9B];
	s0 =	simm.s32 @p1 $0x1  }
0x15: {  	[smem:$0x3FB8] =	sst s0;
	s0 =	simm.s32 @!p2 $0x0  }
0x16: {  	s3 =	sld [smem:$0x3FDB];
	s0 =	simm.s32 @p2 $0x1  }
0x17: {  	s4 =	simm.s32 $0x1BF5;
	[smem:$0x3FBA] =	sst s0  }
0x18: {  	s0 =	sld [smem:$0x3F9D];
	_ =	swait.ge [sflag:s4], $0x0  }
0x19: {  	s7 =	sld [smem:$0x3F9E]  }
0x1a: {  	s8 =	sadd.s32 $0xFFFFE003, lr  }
0x1b: {  	s9 =	sadd.s32 $0xFFFFFEF7, lr;
	s5 =	simm.s32 $0xFFFFFFFF;
	p2 =	slt.u32 s8, $0xFFFFF086  }
0x1c: {  	p1 =	slt.u32 s9, $0xF7A;
	s5 =	simm.s32 @!p2 $0x0  }
0x1d: {  	s5 =	simm.s32 @p1 $0x1;
	p0 =	seq.s32 s7, s2  }
0x1e: {  	s7 =	smul.u32 @!p0 $0xF7A, s2;
	p2 =	seq.s32 @!p0 s5, $0x0  }
0x1f: {  	s9 =	smul.u32 $0xF7A, s1;
	s8 =	simm.s32 @!p0 $0x1BF5;
	p2 =	por !p2, p0  }
0x20: {  	[sflag:s8] =	ssyncset.s32 @!p0 $0xFFFFF086;
	s6 =	sadd.s32 @!p0 s3, s7;
	s7 =	simm.s32 @!p0 $0x108  }
0x21: {  	s3 =	sadd.s32 s3, s9;
	s6 =	sadd.s32 @!p0 $0x88, s6;
	s7 =	simm.s32 @p2 $0x1082  }
0x22: {  	[simem:s7], [sflag:s8] =	dma.local @!p0 [hbm:s6], $0xF7A  }
0x23: {  	s9 =	sor.u32 $0xD0000000, s2;
	s6 =	simm.s32 $0x108;
	_ =	swait.ge @!p0 [sflag:s8], $0x0  }
0x24: {  	s3 =	sadd.s32 $0x88, s3;
	s6 =	simm.s32 @!p1 $0x1082;
	[sflag:s4] =	ssyncset.s32 $0xFFFFF086  }
0x25: {  	[simem:s6], [sflag:s4] =	dma.local [hbm:s3], $0xF7A  }
0x26: {  	[smem:$0x3F9E] =	sst s1;
	(tag) =	ssettag s2;
	_ =	strace s9  }
0x27: {  	s1 =	sld [smem:$0x3FAE]  }
0x28: {  	s2 =	sld [smem:$0x3FAF]  }
0x29: {  	s4 =	sld [smem:$0x3FB1]  }
0x2a: {  	p0 =	seq.s32 s5, $0x0;
	s5 =	sld [smem:$0x3FB2]  }
0x2b: {  	s6 =	sld [smem:$0x3FB3]  }
0x2c: {  	s7 =	sld [smem:$0x3FB4]  }
0x2d: {  	s3 =	simm.s32 $0x108;
	s8 =	sld [smem:$0x3FB5]  }
0x2e: {  	s3 =	simm.s32 @!p0 $0x1082;
	s9 =	sld [smem:$0x3FB6]  }
0x2f: {  	lr =	sadd.s32 s0, s3;
	s0 =	sld [smem:$0x3FAD]  }
0x30: {  	s3 =	sld [smem:$0x3FB0]  }
0x31: {  	[smem:$0x3FB9] =	sst s10  }
0x32: {  	s10 =	sld [smem:$0x3FB7];
	_ =	sdelay $0x3  }
0x33: {  	p0 =	seq.s32 s10, $0x1;
	s10 =	sld [smem:$0x3FB9];
	_ =	sdelay $0x3  }
0x34: {  	[smem:$0x3FB9] =	sst s10  }
0x35: {  	s10 =	sld [smem:$0x3FB8];
	_ =	sdelay $0x3  }
0x36: {  	p1 =	seq.s32 s10, $0x1;
	s10 =	sld [smem:$0x3FB9];
	_ =	sdelay $0x3  }
0x37: {  	[smem:$0x3FB9] =	sst s10  }
0x38: {  	s10 =	sld [smem:$0x3FBA]  }
0x39: {  	_ = 	snop;
	(pc) =	sbr.ind lr, $3  }
0x3a: {  	_ = 	snop  }
0x3b: {  	_ = 	snop  }
0x3c: {  	p2 =	seq.s32 s10, $0x1;
	s10 =	sld [smem:$0x3FB9]  }
0x3d: {  	_ =	shalt  }
0x3e: {  	_ =	shalt  }
0x3f: {  	_ =	shalt  }
0x40: {  	_ =	shalt  }
0x41: {  	_ =	shalt  }
0x42: {  	_ =	shalt  }
0x43: {  	_ =	shalt  }
0x44: {  	_ =	shalt  }
0x45: {  	_ =	shalt  }
0x46: {  	_ =	shalt  }
0x47: {  	_ =	shalt  }
0x48: {  	_ =	shalt  }
0x49: {  	_ =	shalt  }
0x4a: {  	_ =	shalt  }
0x4b: {  	_ =	shalt  }
0x4c: {  	_ =	shalt  }
0x4d: {  	_ =	shalt  }
0x4e: {  	_ =	shalt  }
0x4f: {  	_ =	shalt  }
0x50: {  	_ =	shalt  }
0x51: {  	_ =	shalt  }
0x52: {  	_ =	shalt  }
0x53: {  	_ =	shalt  }
0x54: {  	_ =	shalt  }
0x55: {  	_ =	shalt  }
0x56: {  	_ =	shalt  }
0x57: {  	_ =	shalt  }
0x58: {  	_ =	shalt  }
0x59: {  	_ =	shalt  }
0x5a: {  	_ =	shalt  }
0x5b: {  	_ =	shalt  }
0x5c: {  	_ =	shalt  }
0x5d: {  	_ =	shalt  }
0x5e: {  	_ =	shalt  }
0x5f: {  	_ =	shalt  }
0x60: {  	_ =	shalt  }
0x61: {  	_ =	shalt  }
0x62: {  	_ =	shalt  }
0x63: {  	_ =	shalt  }
0x64: {  	_ =	shalt  }
0x65: {  	_ =	shalt  }
0x66: {  	_ =	shalt  }
0x67: {  	_ =	shalt  }
0x68: {  	_ =	shalt  }
0x69: {  	_ =	shalt  }
0x6a: {  	_ =	shalt  }
0x6b: {  	_ =	shalt  }
0x6c: {  	_ =	shalt  }
0x6d: {  	_ =	shalt  }
0x6e: {  	_ =	shalt  }
0x6f: {  	_ =	shalt  }
0x70: {  	_ =	shalt  }
0x71: {  	_ =	shalt  }
0x72: {  	_ =	shalt  }
0x73: {  	_ =	shalt  }
0x74: {  	_ =	shalt  }
0x75: {  	_ =	shalt  }
0x76: {  	_ =	shalt  }
0x77: {  	_ =	shalt  }
0x78: {  	_ =	shalt  }
0x79: {  	_ =	shalt  }
0x7a: {  	_ =	shalt  }
0x7b: {  	_ =	shalt  }
0x7c: {  	_ =	shalt  }
0x7d: {  	_ =	shalt  }
0x7e: {  	_ =	shalt  }
0x7f: {  	_ =	shalt  }
0x80: {  	_ =	shalt  }
0x81: {  	_ =	shalt  }
0x82: {  	_ =	shalt  }
0x83: {  	_ =	shalt  }
0x84: {  	_ =	shalt  }
0x85: {  	_ =	shalt  }
0x86: {  	_ =	shalt  }
0x87: {  	_ =	shalt  }
.Lfunc_end0:
.L_simem_size_0:
called_computation_lowered:
.L_overlay_start_0:
0x88: {  	s2 =	sld [smem:$0x3FD9]  }
0x89: {  	s3 =	sld [smem:$0x3FFE];
	_ =	sdelay $0x1  }
0x8a: {  	s1 =	srdreg.scid  }
0x8b: {  	s0 =	sand.u32 $0x1, s1  }
0x8c: {  	s17 =	sshll.u32 s0, $0xA;
	s2 =	sadd.s32 s3, s2  }
0x8d: {  	s2 =	sadd.s32 s2, s17  }
0x8e: {  	[smem:$0x3FC5] =	sst s2  }
0x8f: {  	_ = 	snop  }
0x90: {  	s2 =	sld [smem:$0x3FC7];
	(tm) =	ssettm $0x1  }
0x91: {  	s18 =	sld [smem:$0x3FFB];
	_ =	sdelay $0x3  }
0x92: {  	_ =	strace s18  }
0x93: {  	s3 =	sld [smem:$0x3FFC];
	_ =	sdelay $0x3  }
0x94: {  	_ =	strace s3  }
0x95: {  	s3 =	sld [smem:$0x3FFD];
	_ =	sdelay $0x3  }
0x96: {  	_ =	strace s3  }
0x97: {  	_ =	strace $0x8FFFFFFF  }
0x98: {  	s19 =	sld [smem:$0x3FDB];
	_ =	sdelay $0x1  }
0x99: {  	s4 =	simm.s32 $_scs_section_size  }
0x9a: {  	s5 =	simm.s32 $_size__tile_overlayer_lowered;
	s6 =	simm.s32 $_tile_overlayer_lowered  }
0x9b: {  	s22 =	simm.s32 $0x1BFF;
	s21 =	sshll.u32 s6, $0x1;
	s3 =	sadd.s32 s4, s19  }
0x9c: {  	s7 =	simm.s32 $0x0;
	s20 =	sshll.u32 s5, $0x1;
	s5 =	sadd.s32 s21, s3  }
0x9d: {  	[timem:s7], [sflag:s22] =	dma.local [hbm:s5], s20  }
0x9e: {  	_ =	swait.ge [sflag:s22], s20  }
0x9f: {  	s4 =	ssub.s32 $0x0, s20;
	[sflag:s22] =	ssyncset.done $0x0  }
0xa0: {  	[sflag:s22] =	ssyncadd.s32 s4;
	_ =	sdelay $0x1  }
0xa1: {  	s23 =	simm.s32 $0x1B8B  }
0xa2: {  	_ =	swait.ge [sflag:s23], $0x1  }
0xa3: {  	[sflag:s23] =	ssyncset.done $0x0  }
0xa4: {  	s25 =	simm.s32 $0x1B8E;
	s24 =	sld [smem:$0x3FFE];
	[sflag:s23] =	ssyncadd.s32 $0xFFFFFFFF  }
0xa5: {  	s26 =	simm.s32 $execute0_lowered;
	[smem:$0x3FD2] =	sst s25  }
0xa6: {  	s5 =	sshll.u32 s26, $0x1;
	_ =	strace $0x80000046;
	[dreg:$0x1] =	wrdreg $0xFFFFFFFF  }
0xa7: {  	s28 =	simm.s32 $_size_execute0_lowered;
	s3 =	sadd.s32 s3, s5;
	[dreg:$0x0] =	wrdreg $0x0  }
0xa8: {  	s5 =	sshll.u32 s28, $0x1;
	[dreg:$0x2] =	wrdreg s3  }
0xa9: {  	[dreg:$0x3] =	wrdreg s5  }
0xaa: {  	[dreg:$0x4] =	wrdreg $0xC0  }
0xab: {  	_ =	task [dreg:s7], $0x5FFFF  }
0xac: {  	[dreg:$0x1] =	wrdreg $0xFFFFFFFF  }
0xad: {  	[dreg:$0x0] =	wrdreg $0x60  }
0xae: {  	[dreg:$0x2] =	wrdreg s24  }
0xaf: {  	[dreg:$0x3] =	wrdreg s2  }
0xb0: {  	[dreg:$0x4] =	wrdreg $0x9  }
0xb1: {  	_ =	task.clear_ibuf [dreg:s7], $0x5FFFF;
	_ =	strace $0x90000046  }
0xb2: {  	s29 =	simm.s32 $0x9;
	_ =	strace $0x80000048  }
0xb3: {  	_ =	swait.ge [sflag:s29], $0x1  }
0xb4: {  	[sflag:s29] =	ssyncadd.s32 $0xFFFFFFFF  }
0xb5: {  	_ =	strace $0x90000048  }
0xb6: {  	_ =	sfence  }
0xb7: {  	s30 =	sld [smem:$0x0];
	_ =	sdelay $0x2  }
0xb8: {  	s31 =	sshll.u32 s1, $0xD;
	s1 =	sshrl.u32 s1, $0x2  }
0xb9: {  	s3 =	sand.u32 $0x4000, s31;
	s1 =	sadd.s32 s1, s30  }
0xba: {  	s0 =	sor.u32 s3, s0;
	s1 =	sshll.u32 s1, $0x11  }
0xbb: {  	s0 =	sor.u32 s1, s0  }
0xbc: {  	s0 =	sadd.s32 $0x8F2B, s0  }
0xbd: {  	[sflag:s0] =	ssyncadd.remote.s32 $0x1  }
0xbe: {  	_ =	sfence.sel $0xFFFF  }
0xbf: {  	[dreg:$0x0] =	wrdreg $0xFFFFFFFF;
	(pc) =	sbr.abs _section_cstart, $3  }
0xc0: {  	[dreg:$0x1] =	wrdreg $0xFFFFFFFF  }
0xc1: {  	_ =	task.clear_ibuf [dreg:s7], $0x2FFFF;
	_ =	strace $0x9FFFFFFF  }
0xc2: {  	(tm) =	ssettm $0x7FFFFFFF  }
0xc3: {  	_ =	shalt  }
tec
execute0_lowered:
.L_overlay_start_1:
0x0: {  	(tag) =	ssettag $0x1  }
0x1: {  	s1 =	srdreg.scid  }
0x2: {  	s6 =	rddreg [dreg:$0x0];
	s0 =	stileid.u32;
	s5 =	sand.u32 $0x1, s1  }
0x3: {  	s3 =	rddreg [dreg:$0x1];
	s4 =	sshll.u32 s0, $0x8;
	s7 =	sshll.u32 s5, $0x7  }
0x4: {  	s2 =	simm.s32 $0x0;
	s1 =	rddreg [dreg:$0x2];
	s8 =	sor.u32 s7, s4  }
0x5: {  	[smem:$0x7FF] =	sst s2;
	s7 =	sshrl.u32 s8, $0x3  }
0x6: {  	_ =	strace $0x80000047;
	s4 =	sadd.s32 s3, s7;
	s3 =	simm.s32 $0x2  }
0x7: {  	v0 =	vmov s8;
	[tilespmem:s2], [sflag:$0x2] =	stream.linear.gather [hbm4b:s4+s2], $0x80, $0x38;
	[tilespmem:$0x180] =	vst v63  }
0x8: {  	s9 =	sor.u32 $0x10, s8;
	s26 =	sor.u32 $0x30, s8;
	v5 =	vmul.u32 $0x3E8, v0;
	_ =	swait.ge [sflag:s3], $0x80  }
0x9: {  	s25 =	sor.u32 $0x70, s8;
	s29 =	sor.u32 $0x40, s8;
	v0 =	vlaneseq.u32;
	v1 =	vmov s9;
	v2 =	vmov s26;
	[sflag:s3] =	ssyncset.done $0x0  }
0xa: {  	s10 =	sor.u32 $0x20, s8;
	v9 =	vmov s29;
	v7 =	vmul.u32 $0x3E8, v0;
	v0 =	vmov s25;
	[sflag:s3] =	ssyncadd.s32 $0xFFFFFF80  }
0xb: {  	s28 =	sor.u32 $0x50, s8;
	v4 =	vmul.u32 $0x3E8, v1;
	v1 =	vmov s10;
	v0 =	vmul.u32 $0x3E8, v0;
	v3 =	vld [tilespmem:$0x70]  }
0xc: {  	s8 =	sor.u32 $0x60, s8;
	v6 =	vmul.u32 $0x3E8, v1;
	v1 =	vmul.u32 $0x3E8, v2;
	v2 =	vmov s28;
	v8 =	vld [tilespmem:$0x30]  }
0xd: {  	v11 =	vmov s8;
	v2 =	vmul.u32 $0x3E8, v2;
	v0 =	vbroadcast v0, $0x0;
	v10 =	vld [tilespmem:$0x50]  }
0xe: {  	v9 =	vmul.u32 $0x3E8, v9;
	v11 =	vmul.u32 $0x3E8, v11;
	v1 =	vbroadcast v1, $0x0;
	v13 =	vld [tilespmem:$0x60]  }
0xf: {  	s5 =	ssub.s32 $0x2, s5;
	v60 =	vbroadcast v5, $0x0;
	v2 =	vbroadcast v2, $0x0;
	v14 =	vld [tilespmem:$0x20];
	v0 =	vadd.s32 v7, v0  }
0x10: {  	s30 =	sshrl.u32 s5, $0x1;
	v11 =	vbroadcast v11, $0x0;
	v15 =	vld [tilespmem:$0x10];
	v1 =	vadd.s32 v7, v1;
	v3 =	vadd.s32 v3, v0  }
0x11: {  	s8 =	ssub.s32 s5, s30;
	v6 =	vbroadcast v6, $0x0;
	v12 =	vld [tilespmem:$0x40];
	v2 =	vadd.s32 v7, v2;
	v8 =	vadd.s32 v8, v1;
	[tilespmem:$0xF0] =	vst v3  }
0x12: {  	s31 =	smax.u32 s8, $0x1;
	v58 =	vbroadcast v4, $0x0;
	v4 =	vadd.s32 v7, v11;
	v57 =	vadd.s32 v10, v2;
	[tilespmem:$0xB0] =	vst v8;
	v8 =	vld [tilespmem:$0x0]  }
0x13: {  	p0 =	sne.s32 s31, $0x1;
	v9 =	vbroadcast v9, $0x0;
	v5 =	vadd.s32 v7, v6;
	v61 =	vadd.s32 v13, v4;
	[tilespmem:$0xD0] =	vst v57  }
.Ltmp0:
0x14: {  	v6 =	vadd.s32 v7, v58;
	v62 =	vadd.s32 v14, v5;
	[tilespmem:$0xE0] =	vst v61;
	(pc) =	sbr.rel @!p0 .LBB2_2-.Ltmp0, $4  }
0x15: {  	v63 =	vadd.s32 v15, v6;
	v3 =	vadd.s32 v7, v9;
	[tilespmem:$0xA0] =	vst v62  }
0x16: {  	s5 =	sadd.s32 $0x1800, s6;
	v7 =	vadd.s32 v7, v60;
	[tilespmem:$0x90] =	vst v63;
	v59 =	vadd.s32 v12, v3  }
0x17: {  	s6 =	sadd.s32 s7, s6;
	s7 =	simm.s32 $0x80;
	s9 =	simm.s32 $0x1;
	[tilespmem:$0xC0] =	vst v59;
	v8 =	vadd.s32 v8, v7  }
0x18: {  	s6 =	sadd.s32 $0x7E800, s6;
	s8 =	simm.s32 $0x100;
	s10 =	sadd.s32 $0xFFFFFFFF, s31;
	[tilespmem:$0x80] =	vst v8  }
.LBB2_1:
0x19: {  	[tilespmem:s8], [sflag:$0x1] =	stream.indirect.gather [hbm4b:s5+s7], $0x1, s7, s7, $0xb8;
	[tilespmem:$0x180] =	vst v63  }
0x1a: {  	p0 =	sne.s32 s10, $0x1;
	s10 =	sadd.s32 $0xFFFFFFFF, s10;
	_ =	swait.ge [sflag:s9], $0x80  }
0x1b: {  	[sflag:s9] =	ssyncset.done $0x0  }
0x1c: {  	[sflag:s9] =	ssyncadd.s32 $0xFFFFFF80  }
0x1d: {  	[hbm4b:s6+s2] =	stream.linear.scatter [tilespmem:s8], [sflag:$0x2], $0x80, $0x38;
	[tilespmem:$0x180] =	vst v63  }
0x1e: {  	_ =	swait.ge [sflag:s3], $0x80  }
0x1f: {  	[sflag:s3] =	ssyncset.done $0x0  }
0x20: {  	[sflag:s3] =	ssyncadd.s32 $0xFFFFFF80  }
0x21: {  	[tilespmem:s2], [sflag:$0x2] =	stream.linear.gather [hbm4b:s4+s2], $0x80, $0x38;
	[tilespmem:$0x180] =	vst v63  }
0x22: {  	_ =	swait.ge [sflag:s3], $0x80  }
0x23: {  	[sflag:s3] =	ssyncset.done $0x0  }
0x24: {  	[sflag:s3] =	ssyncadd.s32 $0xFFFFFF80  }
0x25: {  	v8 =	vld [tilespmem:$0x70]  }
0x26: {  	v9 =	vld [tilespmem:$0x30]  }
0x27: {  	v10 =	vld [tilespmem:$0x50]  }
0x28: {  	v11 =	vld [tilespmem:$0x40]  }
0x29: {  	v12 =	vld [tilespmem:$0x60]  }
0x2a: {  	v13 =	vld [tilespmem:$0x20];
	v8 =	vadd.s32 v8, v0  }
0x2b: {  	v14 =	vld [tilespmem:$0x10];
	v9 =	vadd.s32 v9, v1;
	[tilespmem:$0xF0] =	vst v8  }
0x2c: {  	v8 =	vld [tilespmem:$0x0];
	[tilespmem:$0xB0] =	vst v9;
	v9 =	vadd.s32 v10, v2  }
0x2d: {  	v10 =	vadd.s32 v11, v3;
	[tilespmem:$0xD0] =	vst v9  }
.Ltmp1:
0x2e: {  	[tilespmem:$0xC0] =	vst v10;
	v9 =	vadd.s32 v12, v4;
	(pc) =	sbr.rel @p0 .LBB2_1-.Ltmp1, $4  }
0x2f: {  	v10 =	vadd.s32 v13, v5;
	[tilespmem:$0xE0] =	vst v9  }
0x30: {  	v9 =	vadd.s32 v14, v6;
	[tilespmem:$0xA0] =	vst v10  }
0x31: {  	v8 =	vadd.s32 v8, v7;
	[tilespmem:$0x90] =	vst v9  }
0x32: {  	[tilespmem:$0x80] =	vst v8  }
.LBB2_2:
0x33: {  	[tilespmem:s8], [sflag:$0x1] =	stream.indirect.gather [hbm4b:s5+s7], $0x1, s7, s7, $0xb8;
	[tilespmem:$0x180] =	vst v63  }
0x34: {  	_ =	swait.ge [sflag:s9], $0x80  }
0x35: {  	[sflag:s9] =	ssyncset.done $0x0  }
0x36: {  	[sflag:s9] =	ssyncadd.s32 $0xFFFFFF80  }
0x37: {  	[hbm4b:s6+s2] =	stream.linear.scatter [tilespmem:s8], [sflag:$0x2], $0x80, $0x38;
	[tilespmem:$0x180] =	vst v63  }
0x38: {  	_ =	swait.ge [sflag:s3], $0x80  }
0x39: {  	[sflag:s3] =	ssyncset.done $0x0  }
0x3a: {  	[sflag:s3] =	ssyncadd.s32 $0xFFFFFF80  }
0x3b: {  	_ =	sfence.sel $0x180000  }
0x3c: {  	[bflag:$0x0] =	sbarrier.arrive $0xFFFF  }
0x3d: {  	p0 =	sne.s32 s0, $0x0;
	_ =	strace $0x90000047  }
0x3e: {  	s0 =	sadd.s32 @!p0 $0x100000, s1;
	[bflag:$0x2] =	sbarrier.arrive $0xFFFF  }
0x3f: {  	[sflag:s0] =	ssyncadd.tile.s32 @!p0 $0x1;
	_ =	shalt  }
.Lfunc_end2:
_tile_overlayer_lowered:
.L_overlay_start_2:
0x40: {  	(tag) =	ssettag $0x2  }
0x41: {  	s0 =	rddreg [dreg:$0x0];
	s2 =	stileid.u32  }
0x42: {  	s1 =	rddreg [dreg:$0x1];
	p0 =	sne.s32 s2, $0x0  }
0x43: {  	s3 =	rddreg [dreg:$0x2];
	[bflag:$0x3] =	sbarrier.arrive $0xFFFF;
	s2 =	simm.s32 @!p0 $0x1C02  }
0x44: {  	[timem:s3], [sflag:s2] =	dma.local @!p0 [hbm:s0], s1  }
0x45: {  	s0 =	simm.s32 @!p0 $0x2  }
0x46: {  	_ =	swait.ge @!p0 [sflag:s0], s1  }
0x47: {  	s1 =	ssub.s32 @!p0 $0x0, s1;
	[sflag:s0] =	ssyncset.done @!p0 $0x0  }
0x48: {  	[sflag:s0] =	ssyncadd.s32 @!p0 s1  }
0x49: {  	[bflag:$0x3] =	sbarrier.arrive $0xFFFF  }
0x4a: {  	_ =	shalt  }

</sc_bundles>
